<compile_context>
chip_gen: v7x
topology: tpu7x:2x2x1
jax: 0.10.2.dev20260603
libtpu: 0.0.44.dev20260713+nightly
codegen_flags: <defaults>
</compile_context>

<pallas_src>
import functools

import jax
import jax.numpy as jnp
from jax import lax
from jax.experimental import pallas as pl
from jax.experimental.pallas import tpu as pltpu
from jax.experimental.pallas import tpu_sc as plsc

_LANES = 16


def _sc_broadcast(bs: int, row: int):
    NC, NS = 2, 16
    NW = NC * NS
    rows_per_w = bs // NW
    C = 32
    n_dma = rows_per_w // C

    mesh = plsc.VectorSubcoreMesh(core_axis_name="c", subcore_axis_name="s")

    @functools.partial(
        pl.kernel,
        out_type=jax.ShapeDtypeStruct((bs, row), jnp.float32),
        mesh=mesh,
        scratch_types=[
            pltpu.VMEM((row,), jnp.float32),
            pltpu.VMEM((C, row), jnp.float32),
            pltpu.SemaphoreType.DMA,
        ],
    )
    def body(w_hbm, out_hbm, w_v, buf_v, sem):
        wid = lax.axis_index("s") * NC + lax.axis_index("c")
        pltpu.sync_copy(w_hbm, w_v)

        def fill_row(r, carry):
            for j in range(row // _LANES):
                buf_v[r, pl.ds(j * _LANES, _LANES)] = w_v[pl.ds(j * _LANES, _LANES)]
            return carry

        lax.fori_loop(0, C, fill_row, 0)

        base = wid * rows_per_w
        copies = [
            pltpu.async_copy(buf_v, out_hbm.at[pl.ds(base + d * C, C)], sem)
            for d in range(n_dma)
        ]
        for c in copies:
            c.wait()

    return body


def kernel(x, W):
    bs, frame_num, _ = x.shape
    num_feats = W.shape[1]
    row = frame_num * num_feats
    w_flat = W.reshape(row)
    out = _sc_broadcast(bs, row)(w_flat)
    return out.reshape(bs, frame_num, num_feats)

# --- scband reference (transcript-rebuilt; emitter-appended) ---
"""Pipeline reference for scband-position-embedding-learned-61452392071274 (READ-ONLY COPY).

The authoritative reference and input builder live on the scoring server;
editing this copy changes nothing except your own understanding.
"""

import jax, jax.numpy as jnp
import numpy as np


def setup_inputs(seed: int = 0) -> dict:
    key = jax.random.key(seed)
    k_x, k_w = jax.random.split(key)
    x = jax.random.normal(k_x, (16384, 5, 128), dtype=jnp.float32)
    # nn.Embedding(5, num_pos_feats) with uniform_ init -> U[0, 1)
    W = jax.random.uniform(k_w, (5, 64), dtype=jnp.float32)
    return {"x": x, "W": W}


def reference(x, W):
    bs, frame_num, _ = x.shape
    i = jnp.arange(frame_num)
    emb = jnp.take(W, i, axis=0)  # embedding lookup: [frame_num, num_pos_feats]
    pos = jnp.tile(emb[None, :, :], (bs, 1, 1))  # repeat(bs, 1, 1)
    return pos

if __name__ == "__main__":
    import jax
    _d = setup_inputs()
    print(jax.jit(kernel)(*tuple(_d.values())))

</pallas_src>

<mosaic_0001>
#map = affine_map<(d0, d1) -> (0)>
#map1 = affine_map<(d0, d1) -> (0, 0)>
module attributes {stable_mosaic.version = 14 : i64} {
  func.func @body(%arg0: i32, %arg1: i32, %arg2: memref<320xf32, #tpu.memory_space<hbm>>, %arg3: memref<16384x320xf32, #tpu.memory_space<hbm>>, %arg4: memref<320xf32, #tpu.memory_space<vmem>>, %arg5: memref<32x320xf32, #tpu.memory_space<vmem>>, %arg6: memref<!tpu.dma_semaphore, #tpu.memory_space<semaphore_mem>>) attributes {dimension_semantics = [#tpu.dimension_semantics<core_parallel>, #tpu.dimension_semantics<subcore_parallel>], iteration_bounds = array<i64: 2, 16>, scalar_prefetch = 0 : i64, scratch_operands = 3 : i64, tpu.core_type = #tpu.core_type<sc_vector_subcore>, window_params = [{transform_indices = #map}, {transform_indices = #map1}]} {
    %mul3A = arith.constant 2 : i32
    %mul3A_0 = arith.muli %arg1, %mul3A : i32
    %add3A = arith.addi %mul3A_0, %arg0 : i32
    "tpu.region"() ({
      %run_scoped3A = tpu.sem_alloc : memref<!tpu.dma_semaphore, #tpu.memory_space<semaphore_mem>>
      tpu.enqueue_dma source(%arg2 : memref<320xf32, #tpu.memory_space<hbm>>) target(%arg4 : memref<320xf32, #tpu.memory_space<vmem>>) target_semaphore(%run_scoped3A : memref<!tpu.dma_semaphore, #tpu.memory_space<semaphore_mem>>)
      tpu.wait_dma2 semaphore(%run_scoped3A : memref<!tpu.dma_semaphore, #tpu.memory_space<semaphore_mem>>) src(%arg2 : memref<320xf32, #tpu.memory_space<hbm>>) dst(%arg4 : memref<320xf32, #tpu.memory_space<vmem>>)
      tpu.yield
    }) : () -> ()
    %scan3A = arith.constant 0 : i32
    %scan3A_1 = arith.constant 0 : i32
    %scan3A_2 = arith.constant 32 : i32
    %scan3A_3 = arith.addi %scan3A_1, %scan3A_2 : i32
    %scan3A_4 = arith.constant 1 : i32
    scf.for %scan3A_166 = %scan3A_1 to %scan3A_3 step %scan3A_4  : i32 {
      %get3A = arith.constant 0 : index
      %get3A_167 = tpu.vector_load %arg4[%get3A] {strides = array<i32>} : memref<320xf32, #tpu.memory_space<vmem>>, vector<16xf32>,
      %get3A_168 = vector.shape_cast %get3A_167 : vector<16xf32> to vector<16xf32>
      %swap3A = arith.index_cast %scan3A_166 : i32 to index
      %swap3A_169 = arith.constant 0 : index
      %swap3A_170 = tpu.vector_load %arg5[%swap3A, %swap3A_169] {strides = array<i32>} : memref<32x320xf32, #tpu.memory_space<vmem>>, vector<1x16xf32>,
      %swap3A_171 = vector.shape_cast %swap3A_170 : vector<1x16xf32> to vector<16xf32>
      %swap3A_172 = vector.shape_cast %get3A_168 : vector<16xf32> to vector<1x16xf32>
      tpu.vector_store %arg5[%swap3A, %swap3A_169], %swap3A_172 {strides = array<i32>} : memref<32x320xf32, #tpu.memory_space<vmem>>, vector<1x16xf32>,
      %get3A_173 = arith.constant 16 : index
      %get3A_174 = tpu.vector_load %arg4[%get3A_173] {strides = array<i32>} : memref<320xf32, #tpu.memory_space<vmem>>, vector<16xf32>,
      %get3A_175 = vector.shape_cast %get3A_174 : vector<16xf32> to vector<16xf32>
      %swap3A_176 = arith.index_cast %scan3A_166 : i32 to index
      %swap3A_177 = arith.constant 16 : index
      %swap3A_178 = tpu.vector_load %arg5[%swap3A_176, %swap3A_177] {strides = array<i32>} : memref<32x320xf32, #tpu.memory_space<vmem>>, vector<1x16xf32>,
      %swap3A_179 = vector.shape_cast %swap3A_178 : vector<1x16xf32> to vector<16xf32>
      %swap3A_180 = vector.shape_cast %get3A_175 : vector<16xf32> to vector<1x16xf32>
      tpu.vector_store %arg5[%swap3A_176, %swap3A_177], %swap3A_180 {strides = array<i32>} : memref<32x320xf32, #tpu.memory_space<vmem>>, vector<1x16xf32>,
      %get3A_181 = arith.constant 32 : index
      %get3A_182 = tpu.vector_load %arg4[%get3A_181] {strides = array<i32>} : memref<320xf32, #tpu.memory_space<vmem>>, vector<16xf32>,
      %get3A_183 = vector.shape_cast %get3A_182 : vector<16xf32> to vector<16xf32>
      %swap3A_184 = arith.index_cast %scan3A_166 : i32 to index
      %swap3A_185 = arith.constant 32 : index
      %swap3A_186 = tpu.vector_load %arg5[%swap3A_184, %swap3A_185] {strides = array<i32>} : memref<32x320xf32, #tpu.memory_space<vmem>>, vector<1x16xf32>,
      %swap3A_187 = vector.shape_cast %swap3A_186 : vector<1x16xf32> to vector<16xf32>
      %swap3A_188 = vector.shape_cast %get3A_183 : vector<16xf32> to vector<1x16xf32>
      tpu.vector_store %arg5[%swap3A_184, %swap3A_185], %swap3A_188 {strides = array<i32>} : memref<32x320xf32, #tpu.memory_space<vmem>>, vector<1x16xf32>,
      %get3A_189 = arith.constant 48 : index
      %get3A_190 = tpu.vector_load %arg4[%get3A_189] {strides = array<i32>} : memref<320xf32, #tpu.memory_space<vmem>>, vector<16xf32>,
      %get3A_191 = vector.shape_cast %get3A_190 : vector<16xf32> to vector<16xf32>
      %swap3A_192 = arith.index_cast %scan3A_166 : i32 to index
      %swap3A_193 = arith.constant 48 : index
      %swap3A_194 = tpu.vector_load %arg5[%swap3A_192, %swap3A_193] {strides = array<i32>} : memref<32x320xf32, #tpu.memory_space<vmem>>, vector<1x16xf32>,
      %swap3A_195 = vector.shape_cast %swap3A_194 : vector<1x16xf32> to vector<16xf32>
      %swap3A_196 = vector.shape_cast %get3A_191 : vector<16xf32> to vector<1x16xf32>
      tpu.vector_store %arg5[%swap3A_192, %swap3A_193], %swap3A_196 {strides = array<i32>} : memref<32x320xf32, #tpu.memory_space<vmem>>, vector<1x16xf32>,
      %get3A_197 = arith.constant 64 : index
      %get3A_198 = tpu.vector_load %arg4[%get3A_197] {strides = array<i32>} : memref<320xf32, #tpu.memory_space<vmem>>, vector<16xf32>,
      %get3A_199 = vector.shape_cast %get3A_198 : vector<16xf32> to vector<16xf32>
      %swap3A_200 = arith.index_cast %scan3A_166 : i32 to index
      %swap3A_201 = arith.constant 64 : index
      %swap3A_202 = tpu.vector_load %arg5[%swap3A_200, %swap3A_201] {strides = array<i32>} : memref<32x320xf32, #tpu.memory_space<vmem>>, vector<1x16xf32>,
      %swap3A_203 = vector.shape_cast %swap3A_202 : vector<1x16xf32> to vector<16xf32>
      %swap3A_204 = vector.shape_cast %get3A_199 : vector<16xf32> to vector<1x16xf32>
      tpu.vector_store %arg5[%swap3A_200, %swap3A_201], %swap3A_204 {strides = array<i32>} : memref<32x320xf32, #tpu.memory_space<vmem>>, vector<1x16xf32>,
      %get3A_205 = arith.constant 80 : index
      %get3A_206 = tpu.vector_load %arg4[%get3A_205] {strides = array<i32>} : memref<320xf32, #tpu.memory_space<vmem>>, vector<16xf32>,
      %get3A_207 = vector.shape_cast %get3A_206 : vector<16xf32> to vector<16xf32>
      %swap3A_208 = arith.index_cast %scan3A_166 : i32 to index
      %swap3A_209 = arith.constant 80 : index
      %swap3A_210 = tpu.vector_load %arg5[%swap3A_208, %swap3A_209] {strides = array<i32>} : memref<32x320xf32, #tpu.memory_space<vmem>>, vector<1x16xf32>,
      %swap3A_211 = vector.shape_cast %swap3A_210 : vector<1x16xf32> to vector<16xf32>
      %swap3A_212 = vector.shape_cast %get3A_207 : vector<16xf32> to vector<1x16xf32>
      tpu.vector_store %arg5[%swap3A_208, %swap3A_209], %swap3A_212 {strides = array<i32>} : memref<32x320xf32, #tpu.memory_space<vmem>>, vector<1x16xf32>,
      %get3A_213 = arith.constant 96 : index
      %get3A_214 = tpu.vector_load %arg4[%get3A_213] {strides = array<i32>} : memref<320xf32, #tpu.memory_space<vmem>>, vector<16xf32>,
      %get3A_215 = vector.shape_cast %get3A_214 : vector<16xf32> to vector<16xf32>
      %swap3A_216 = arith.index_cast %scan3A_166 : i32 to index
      %swap3A_217 = arith.constant 96 : index
      %swap3A_218 = tpu.vector_load %arg5[%swap3A_216, %swap3A_217] {strides = array<i32>} : memref<32x320xf32, #tpu.memory_space<vmem>>, vector<1x16xf32>,
      %swap3A_219 = vector.shape_cast %swap3A_218 : vector<1x16xf32> to vector<16xf32>
      %swap3A_220 = vector.shape_cast %get3A_215 : vector<16xf32> to vector<1x16xf32>
      tpu.vector_store %arg5[%swap3A_216, %swap3A_217], %swap3A_220 {strides = array<i32>} : memref<32x320xf32, #tpu.memory_space<vmem>>, vector<1x16xf32>,
      %get3A_221 = arith.constant 112 : index
      %get3A_222 = tpu.vector_load %arg4[%get3A_221] {strides = array<i32>} : memref<320xf32, #tpu.memory_space<vmem>>, vector<16xf32>,
      %get3A_223 = vector.shape_cast %get3A_222 : vector<16xf32> to vector<16xf32>
      %swap3A_224 = arith.index_cast %scan3A_166 : i32 to index
      %swap3A_225 = arith.constant 112 : index
      %swap3A_226 = tpu.vector_load %arg5[%swap3A_224, %swap3A_225] {strides = array<i32>} : memref<32x320xf32, #tpu.memory_space<vmem>>, vector<1x16xf32>,
      %swap3A_227 = vector.shape_cast %swap3A_226 : vector<1x16xf32> to vector<16xf32>
      %swap3A_228 = vector.shape_cast %get3A_223 : vector<16xf32> to vector<1x16xf32>
      tpu.vector_store %arg5[%swap3A_224, %swap3A_225], %swap3A_228 {strides = array<i32>} : memref<32x320xf32, #tpu.memory_space<vmem>>, vector<1x16xf32>,
      %get3A_229 = arith.constant 128 : index
      %get3A_230 = tpu.vector_load %arg4[%get3A_229] {strides = array<i32>} : memref<320xf32, #tpu.memory_space<vmem>>, vector<16xf32>,
      %get3A_231 = vector.shape_cast %get3A_230 : vector<16xf32> to vector<16xf32>
      %swap3A_232 = arith.index_cast %scan3A_166 : i32 to index
      %swap3A_233 = arith.constant 128 : index
      %swap3A_234 = tpu.vector_load %arg5[%swap3A_232, %swap3A_233] {strides = array<i32>} : memref<32x320xf32, #tpu.memory_space<vmem>>, vector<1x16xf32>,
      %swap3A_235 = vector.shape_cast %swap3A_234 : vector<1x16xf32> to vector<16xf32>
      %swap3A_236 = vector.shape_cast %get3A_231 : vector<16xf32> to vector<1x16xf32>
      tpu.vector_store %arg5[%swap3A_232, %swap3A_233], %swap3A_236 {strides = array<i32>} : memref<32x320xf32, #tpu.memory_space<vmem>>, vector<1x16xf32>,
      %get3A_237 = arith.constant 144 : index
      %get3A_238 = tpu.vector_load %arg4[%get3A_237] {strides = array<i32>} : memref<320xf32, #tpu.memory_space<vmem>>, vector<16xf32>,
      %get3A_239 = vector.shape_cast %get3A_238 : vector<16xf32> to vector<16xf32>
      %swap3A_240 = arith.index_cast %scan3A_166 : i32 to index
      %swap3A_241 = arith.constant 144 : index
      %swap3A_242 = tpu.vector_load %arg5[%swap3A_240, %swap3A_241] {strides = array<i32>} : memref<32x320xf32, #tpu.memory_space<vmem>>, vector<1x16xf32>,
      %swap3A_243 = vector.shape_cast %swap3A_242 : vector<1x16xf32> to vector<16xf32>
      %swap3A_244 = vector.shape_cast %get3A_239 : vector<16xf32> to vector<1x16xf32>
      tpu.vector_store %arg5[%swap3A_240, %swap3A_241], %swap3A_244 {strides = array<i32>} : memref<32x320xf32, #tpu.memory_space<vmem>>, vector<1x16xf32>,
      %get3A_245 = arith.constant 160 : index
      %get3A_246 = tpu.vector_load %arg4[%get3A_245] {strides = array<i32>} : memref<320xf32, #tpu.memory_space<vmem>>, vector<16xf32>,
      %get3A_247 = vector.shape_cast %get3A_246 : vector<16xf32> to vector<16xf32>
      %swap3A_248 = arith.index_cast %scan3A_166 : i32 to index
      %swap3A_249 = arith.constant 160 : index
      %swap3A_250 = tpu.vector_load %arg5[%swap3A_248, %swap3A_249] {strides = array<i32>} : memref<32x320xf32, #tpu.memory_space<vmem>>, vector<1x16xf32>,
      %swap3A_251 = vector.shape_cast %swap3A_250 : vector<1x16xf32> to vector<16xf32>
      %swap3A_252 = vector.shape_cast %get3A_247 : vector<16xf32> to vector<1x16xf32>
      tpu.vector_store %arg5[%swap3A_248, %swap3A_249], %swap3A_252 {strides = array<i32>} : memref<32x320xf32, #tpu.memory_space<vmem>>, vector<1x16xf32>,
      %get3A_253 = arith.constant 176 : index
      %get3A_254 = tpu.vector_load %arg4[%get3A_253] {strides = array<i32>} : memref<320xf32, #tpu.memory_space<vmem>>, vector<16xf32>,
      %get3A_255 = vector.shape_cast %get3A_254 : vector<16xf32> to vector<16xf32>
      %swap3A_256 = arith.index_cast %scan3A_166 : i32 to index
      %swap3A_257 = arith.constant 176 : index
      %swap3A_258 = tpu.vector_load %arg5[%swap3A_256, %swap3A_257] {strides = array<i32>} : memref<32x320xf32, #tpu.memory_space<vmem>>, vector<1x16xf32>,
      %swap3A_259 = vector.shape_cast %swap3A_258 : vector<1x16xf32> to vector<16xf32>
      %swap3A_260 = vector.shape_cast %get3A_255 : vector<16xf32> to vector<1x16xf32>
      tpu.vector_store %arg5[%swap3A_256, %swap3A_257], %swap3A_260 {strides = array<i32>} : memref<32x320xf32, #tpu.memory_space<vmem>>, vector<1x16xf32>,
      %get3A_261 = arith.constant 192 : index
      %get3A_262 = tpu.vector_load %arg4[%get3A_261] {strides = array<i32>} : memref<320xf32, #tpu.memory_space<vmem>>, vector<16xf32>,
      %get3A_263 = vector.shape_cast %get3A_262 : vector<16xf32> to vector<16xf32>
      %swap3A_264 = arith.index_cast %scan3A_166 : i32 to index
      %swap3A_265 = arith.constant 192 : index
      %swap3A_266 = tpu.vector_load %arg5[%swap3A_264, %swap3A_265] {strides = array<i32>} : memref<32x320xf32, #tpu.memory_space<vmem>>, vector<1x16xf32>,
      %swap3A_267 = vector.shape_cast %swap3A_266 : vector<1x16xf32> to vector<16xf32>
      %swap3A_268 = vector.shape_cast %get3A_263 : vector<16xf32> to vector<1x16xf32>
      tpu.vector_store %arg5[%swap3A_264, %swap3A_265], %swap3A_268 {strides = array<i32>} : memref<32x320xf32, #tpu.memory_space<vmem>>, vector<1x16xf32>,
      %get3A_269 = arith.constant 208 : index
      %get3A_270 = tpu.vector_load %arg4[%get3A_269] {strides = array<i32>} : memref<320xf32, #tpu.memory_space<vmem>>, vector<16xf32>,
      %get3A_271 = vector.shape_cast %get3A_270 : vector<16xf32> to vector<16xf32>
      %swap3A_272 = arith.index_cast %scan3A_166 : i32 to index
      %swap3A_273 = arith.constant 208 : index
      %swap3A_274 = tpu.vector_load %arg5[%swap3A_272, %swap3A_273] {strides = array<i32>} : memref<32x320xf32, #tpu.memory_space<vmem>>, vector<1x16xf32>,
      %swap3A_275 = vector.shape_cast %swap3A_274 : vector<1x16xf32> to vector<16xf32>
      %swap3A_276 = vector.shape_cast %get3A_271 : vector<16xf32> to vector<1x16xf32>
      tpu.vector_store %arg5[%swap3A_272, %swap3A_273], %swap3A_276 {strides = array<i32>} : memref<32x320xf32, #tpu.memory_space<vmem>>, vector<1x16xf32>,
      %get3A_277 = arith.constant 224 : index
      %get3A_278 = tpu.vector_load %arg4[%get3A_277] {strides = array<i32>} : memref<320xf32, #tpu.memory_space<vmem>>, vector<16xf32>,
      %get3A_279 = vector.shape_cast %get3A_278 : vector<16xf32> to vector<16xf32>
      %swap3A_280 = arith.index_cast %scan3A_166 : i32 to index
      %swap3A_281 = arith.constant 224 : index
      %swap3A_282 = tpu.vector_load %arg5[%swap3A_280, %swap3A_281] {strides = array<i32>} : memref<32x320xf32, #tpu.memory_space<vmem>>, vector<1x16xf32>,
      %swap3A_283 = vector.shape_cast %swap3A_282 : vector<1x16xf32> to vector<16xf32>
      %swap3A_284 = vector.shape_cast %get3A_279 : vector<16xf32> to vector<1x16xf32>
      tpu.vector_store %arg5[%swap3A_280, %swap3A_281], %swap3A_284 {strides = array<i32>} : memref<32x320xf32, #tpu.memory_space<vmem>>, vector<1x16xf32>,
      %get3A_285 = arith.constant 240 : index
      %get3A_286 = tpu.vector_load %arg4[%get3A_285] {strides = array<i32>} : memref<320xf32, #tpu.memory_space<vmem>>, vector<16xf32>,
      %get3A_287 = vector.shape_cast %get3A_286 : vector<16xf32> to vector<16xf32>
      %swap3A_288 = arith.index_cast %scan3A_166 : i32 to index
      %swap3A_289 = arith.constant 240 : index
      %swap3A_290 = tpu.vector_load %arg5[%swap3A_288, %swap3A_289] {strides = array<i32>} : memref<32x320xf32, #tpu.memory_space<vmem>>, vector<1x16xf32>,
      %swap3A_291 = vector.shape_cast %swap3A_290 : vector<1x16xf32> to vector<16xf32>
      %swap3A_292 = vector.shape_cast %get3A_287 : vector<16xf32> to vector<1x16xf32>
      tpu.vector_store %arg5[%swap3A_288, %swap3A_289], %swap3A_292 {strides = array<i32>} : memref<32x320xf32, #tpu.memory_space<vmem>>, vector<1x16xf32>,
      %get3A_293 = arith.constant 256 : index
      %get3A_294 = tpu.vector_load %arg4[%get3A_293] {strides = array<i32>} : memref<320xf32, #tpu.memory_space<vmem>>, vector<16xf32>,
      %get3A_295 = vector.shape_cast %get3A_294 : vector<16xf32> to vector<16xf32>
      %swap3A_296 = arith.index_cast %scan3A_166 : i32 to index
      %swap3A_297 = arith.constant 256 : index
      %swap3A_298 = tpu.vector_load %arg5[%swap3A_296, %swap3A_297] {strides = array<i32>} : memref<32x320xf32, #tpu.memory_space<vmem>>, vector<1x16xf32>,
      %swap3A_299 = vector.shape_cast %swap3A_298 : vector<1x16xf32> to vector<16xf32>
      %swap3A_300 = vector.shape_cast %get3A_295 : vector<16xf32> to vector<1x16xf32>
      tpu.vector_store %arg5[%swap3A_296, %swap3A_297], %swap3A_300 {strides = array<i32>} : memref<32x320xf32, #tpu.memory_space<vmem>>, vector<1x16xf32>,
      %get3A_301 = arith.constant 272 : index
      %get3A_302 = tpu.vector_load %arg4[%get3A_301] {strides = array<i32>} : memref<320xf32, #tpu.memory_space<vmem>>, vector<16xf32>,
      %get3A_303 = vector.shape_cast %get3A_302 : vector<16xf32> to vector<16xf32>
      %swap3A_304 = arith.index_cast %scan3A_166 : i32 to index
      %swap3A_305 = arith.constant 272 : index
      %swap3A_306 = tpu.vector_load %arg5[%swap3A_304, %swap3A_305] {strides = array<i32>} : memref<32x320xf32, #tpu.memory_space<vmem>>, vector<1x16xf32>,
      %swap3A_307 = vector.shape_cast %swap3A_306 : vector<1x16xf32> to vector<16xf32>
      %swap3A_308 = vector.shape_cast %get3A_303 : vector<16xf32> to vector<1x16xf32>
      tpu.vector_store %arg5[%swap3A_304, %swap3A_305], %swap3A_308 {strides = array<i32>} : memref<32x320xf32, #tpu.memory_space<vmem>>, vector<1x16xf32>,
      %get3A_309 = arith.constant 288 : index
      %get3A_310 = tpu.vector_load %arg4[%get3A_309] {strides = array<i32>} : memref<320xf32, #tpu.memory_space<vmem>>, vector<16xf32>,
      %get3A_311 = vector.shape_cast %get3A_310 : vector<16xf32> to vector<16xf32>
      %swap3A_312 = arith.index_cast %scan3A_166 : i32 to index
      %swap3A_313 = arith.constant 288 : index
      %swap3A_314 = tpu.vector_load %arg5[%swap3A_312, %swap3A_313] {strides = array<i32>} : memref<32x320xf32, #tpu.memory_space<vmem>>, vector<1x16xf32>,
      %swap3A_315 = vector.shape_cast %swap3A_314 : vector<1x16xf32> to vector<16xf32>
      %swap3A_316 = vector.shape_cast %get3A_311 : vector<16xf32> to vector<1x16xf32>
      tpu.vector_store %arg5[%swap3A_312, %swap3A_313], %swap3A_316 {strides = array<i32>} : memref<32x320xf32, #tpu.memory_space<vmem>>, vector<1x16xf32>,
      %get3A_317 = arith.constant 304 : index
      %get3A_318 = tpu.vector_load %arg4[%get3A_317] {strides = array<i32>} : memref<320xf32, #tpu.memory_space<vmem>>, vector<16xf32>,
      %get3A_319 = vector.shape_cast %get3A_318 : vector<16xf32> to vector<16xf32>
      %swap3A_320 = arith.index_cast %scan3A_166 : i32 to index
      %swap3A_321 = arith.constant 304 : index
      %swap3A_322 = tpu.vector_load %arg5[%swap3A_320, %swap3A_321] {strides = array<i32>} : memref<32x320xf32, #tpu.memory_space<vmem>>, vector<1x16xf32>,
      %swap3A_323 = vector.shape_cast %swap3A_322 : vector<1x16xf32> to vector<16xf32>
      %swap3A_324 = vector.shape_cast %get3A_319 : vector<16xf32> to vector<1x16xf32>
      tpu.vector_store %arg5[%swap3A_320, %swap3A_321], %swap3A_324 {strides = array<i32>} : memref<32x320xf32, #tpu.memory_space<vmem>>, vector<1x16xf32>,
    }
    %scan3A_5 = arith.constant 32 : i32
    %mul3A_6 = arith.constant 512 : i32
    %mul3A_7 = arith.muli %add3A, %mul3A_6 : i32
    %add3A_8 = arith.constant 0 : i32
    %add3A_9 = arith.addi %mul3A_7, %add3A_8 : i32
    %dma_start3A = arith.constant 0 : i32
    %dma_start3A_10 = tpu.memref_slice %arg3[%add3A_9, %dma_start3A] : memref<16384x320xf32, #tpu.memory_space<hbm>> -> memref<32x320xf32, #tpu.memory_space<hbm>>
    %dma_start3A_11 = arith.constant 0 : i32
    %dma_start3A_12 = tpu.memref_slice %arg3[%add3A_9, %dma_start3A_11] : memref<16384x320xf32, #tpu.memory_space<hbm>> -> memref<32x320xf32, #tpu.memory_space<hbm>>
    tpu.enqueue_dma source(%arg5 : memref<32x320xf32, #tpu.memory_space<vmem>>) target(%dma_start3A_12 : memref<32x320xf32, #tpu.memory_space<hbm>>) target_semaphore(%arg6 : memref<!tpu.dma_semaphore, #tpu.memory_space<semaphore_mem>>)
    %add3A_13 = arith.constant 32 : i32
    %add3A_14 = arith.addi %mul3A_7, %add3A_13 : i32
    %dma_start3A_15 = arith.constant 0 : i32
    %dma_start3A_16 = tpu.memref_slice %arg3[%add3A_14, %dma_start3A_15] : memref<16384x320xf32, #tpu.memory_space<hbm>> -> memref<32x320xf32, #tpu.memory_space<hbm>>
    %dma_start3A_17 = arith.constant 0 : i32
    %dma_start3A_18 = tpu.memref_slice %arg3[%add3A_14, %dma_start3A_17] : memref<16384x320xf32, #tpu.memory_space<hbm>> -> memref<32x320xf32, #tpu.memory_space<hbm>>
    tpu.enqueue_dma source(%arg5 : memref<32x320xf32, #tpu.memory_space<vmem>>) target(%dma_start3A_18 : memref<32x320xf32, #tpu.memory_space<hbm>>) target_semaphore(%arg6 : memref<!tpu.dma_semaphore, #tpu.memory_space<semaphore_mem>>)
    %add3A_19 = arith.constant 64 : i32
    %add3A_20 = arith.addi %mul3A_7, %add3A_19 : i32
    %dma_start3A_21 = arith.constant 0 : i32
    %dma_start3A_22 = tpu.memref_slice %arg3[%add3A_20, %dma_start3A_21] : memref<16384x320xf32, #tpu.memory_space<hbm>> -> memref<32x320xf32, #tpu.memory_space<hbm>>
    %dma_start3A_23 = arith.constant 0 : i32
    %dma_start3A_24 = tpu.memref_slice %arg3[%add3A_20, %dma_start3A_23] : memref<16384x320xf32, #tpu.memory_space<hbm>> -> memref<32x320xf32, #tpu.memory_space<hbm>>
    tpu.enqueue_dma source(%arg5 : memref<32x320xf32, #tpu.memory_space<vmem>>) target(%dma_start3A_24 : memref<32x320xf32, #tpu.memory_space<hbm>>) target_semaphore(%arg6 : memref<!tpu.dma_semaphore, #tpu.memory_space<semaphore_mem>>)
    %add3A_25 = arith.constant 96 : i32
    %add3A_26 = arith.addi %mul3A_7, %add3A_25 : i32
    %dma_start3A_27 = arith.constant 0 : i32
    %dma_start3A_28 = tpu.memref_slice %arg3[%add3A_26, %dma_start3A_27] : memref<16384x320xf32, #tpu.memory_space<hbm>> -> memref<32x320xf32, #tpu.memory_space<hbm>>
    %dma_start3A_29 = arith.constant 0 : i32
    %dma_start3A_30 = tpu.memref_slice %arg3[%add3A_26, %dma_start3A_29] : memref<16384x320xf32, #tpu.memory_space<hbm>> -> memref<32x320xf32, #tpu.memory_space<hbm>>
    tpu.enqueue_dma source(%arg5 : memref<32x320xf32, #tpu.memory_space<vmem>>) target(%dma_start3A_30 : memref<32x320xf32, #tpu.memory_space<hbm>>) target_semaphore(%arg6 : memref<!tpu.dma_semaphore, #tpu.memory_space<semaphore_mem>>)
    %add3A_31 = arith.constant 128 : i32
    %add3A_32 = arith.addi %mul3A_7, %add3A_31 : i32
    %dma_start3A_33 = arith.constant 0 : i32
    %dma_start3A_34 = tpu.memref_slice %arg3[%add3A_32, %dma_start3A_33] : memref<16384x320xf32, #tpu.memory_space<hbm>> -> memref<32x320xf32, #tpu.memory_space<hbm>>
    %dma_start3A_35 = arith.constant 0 : i32
    %dma_start3A_36 = tpu.memref_slice %arg3[%add3A_32, %dma_start3A_35] : memref<16384x320xf32, #tpu.memory_space<hbm>> -> memref<32x320xf32, #tpu.memory_space<hbm>>
    tpu.enqueue_dma source(%arg5 : memref<32x320xf32, #tpu.memory_space<vmem>>) target(%dma_start3A_36 : memref<32x320xf32, #tpu.memory_space<hbm>>) target_semaphore(%arg6 : memref<!tpu.dma_semaphore, #tpu.memory_space<semaphore_mem>>)
    %add3A_37 = arith.constant 160 : i32
    %add3A_38 = arith.addi %mul3A_7, %add3A_37 : i32
    %dma_start3A_39 = arith.constant 0 : i32
    %dma_start3A_40 = tpu.memref_slice %arg3[%add3A_38, %dma_start3A_39] : memref<16384x320xf32, #tpu.memory_space<hbm>> -> memref<32x320xf32, #tpu.memory_space<hbm>>
    %dma_start3A_41 = arith.constant 0 : i32
    %dma_start3A_42 = tpu.memref_slice %arg3[%add3A_38, %dma_start3A_41] : memref<16384x320xf32, #tpu.memory_space<hbm>> -> memref<32x320xf32, #tpu.memory_space<hbm>>
    tpu.enqueue_dma source(%arg5 : memref<32x320xf32, #tpu.memory_space<vmem>>) target(%dma_start3A_42 : memref<32x320xf32, #tpu.memory_space<hbm>>) target_semaphore(%arg6 : memref<!tpu.dma_semaphore, #tpu.memory_space<semaphore_mem>>)
    %add3A_43 = arith.constant 192 : i32
    %add3A_44 = arith.addi %mul3A_7, %add3A_43 : i32
    %dma_start3A_45 = arith.constant 0 : i32
    %dma_start3A_46 = tpu.memref_slice %arg3[%add3A_44, %dma_start3A_45] : memref<16384x320xf32, #tpu.memory_space<hbm>> -> memref<32x320xf32, #tpu.memory_space<hbm>>
    %dma_start3A_47 = arith.constant 0 : i32
    %dma_start3A_48 = tpu.memref_slice %arg3[%add3A_44, %dma_start3A_47] : memref<16384x320xf32, #tpu.memory_space<hbm>> -> memref<32x320xf32, #tpu.memory_space<hbm>>
    tpu.enqueue_dma source(%arg5 : memref<32x320xf32, #tpu.memory_space<vmem>>) target(%dma_start3A_48 : memref<32x320xf32, #tpu.memory_space<hbm>>) target_semaphore(%arg6 : memref<!tpu.dma_semaphore, #tpu.memory_space<semaphore_mem>>)
    %add3A_49 = arith.constant 224 : i32
    %add3A_50 = arith.addi %mul3A_7, %add3A_49 : i32
    %dma_start3A_51 = arith.constant 0 : i32
    %dma_start3A_52 = tpu.memref_slice %arg3[%add3A_50, %dma_start3A_51] : memref<16384x320xf32, #tpu.memory_space<hbm>> -> memref<32x320xf32, #tpu.memory_space<hbm>>
    %dma_start3A_53 = arith.constant 0 : i32
    %dma_start3A_54 = tpu.memref_slice %arg3[%add3A_50, %dma_start3A_53] : memref<16384x320xf32, #tpu.memory_space<hbm>> -> memref<32x320xf32, #tpu.memory_space<hbm>>
    tpu.enqueue_dma source(%arg5 : memref<32x320xf32, #tpu.memory_space<vmem>>) target(%dma_start3A_54 : memref<32x320xf32, #tpu.memory_space<hbm>>) target_semaphore(%arg6 : memref<!tpu.dma_semaphore, #tpu.memory_space<semaphore_mem>>)
    %add3A_55 = arith.constant 256 : i32
    %add3A_56 = arith.addi %mul3A_7, %add3A_55 : i32
    %dma_start3A_57 = arith.constant 0 : i32
    %dma_start3A_58 = tpu.memref_slice %arg3[%add3A_56, %dma_start3A_57] : memref<16384x320xf32, #tpu.memory_space<hbm>> -> memref<32x320xf32, #tpu.memory_space<hbm>>
    %dma_start3A_59 = arith.constant 0 : i32
    %dma_start3A_60 = tpu.memref_slice %arg3[%add3A_56, %dma_start3A_59] : memref<16384x320xf32, #tpu.memory_space<hbm>> -> memref<32x320xf32, #tpu.memory_space<hbm>>
    tpu.enqueue_dma source(%arg5 : memref<32x320xf32, #tpu.memory_space<vmem>>) target(%dma_start3A_60 : memref<32x320xf32, #tpu.memory_space<hbm>>) target_semaphore(%arg6 : memref<!tpu.dma_semaphore, #tpu.memory_space<semaphore_mem>>)
    %add3A_61 = arith.constant 288 : i32
    %add3A_62 = arith.addi %mul3A_7, %add3A_61 : i32
    %dma_start3A_63 = arith.constant 0 : i32
    %dma_start3A_64 = tpu.memref_slice %arg3[%add3A_62, %dma_start3A_63] : memref<16384x320xf32, #tpu.memory_space<hbm>> -> memref<32x320xf32, #tpu.memory_space<hbm>>
    %dma_start3A_65 = arith.constant 0 : i32
    %dma_start3A_66 = tpu.memref_slice %arg3[%add3A_62, %dma_start3A_65] : memref<16384x320xf32, #tpu.memory_space<hbm>> -> memref<32x320xf32, #tpu.memory_space<hbm>>
    tpu.enqueue_dma source(%arg5 : memref<32x320xf32, #tpu.memory_space<vmem>>) target(%dma_start3A_66 : memref<32x320xf32, #tpu.memory_space<hbm>>) target_semaphore(%arg6 : memref<!tpu.dma_semaphore, #tpu.memory_space<semaphore_mem>>)
    %add3A_67 = arith.constant 320 : i32
    %add3A_68 = arith.addi %mul3A_7, %add3A_67 : i32
    %dma_start3A_69 = arith.constant 0 : i32
    %dma_start3A_70 = tpu.memref_slice %arg3[%add3A_68, %dma_start3A_69] : memref<16384x320xf32, #tpu.memory_space<hbm>> -> memref<32x320xf32, #tpu.memory_space<hbm>>
    %dma_start3A_71 = arith.constant 0 : i32
    %dma_start3A_72 = tpu.memref_slice %arg3[%add3A_68, %dma_start3A_71] : memref<16384x320xf32, #tpu.memory_space<hbm>> -> memref<32x320xf32, #tpu.memory_space<hbm>>
    tpu.enqueue_dma source(%arg5 : memref<32x320xf32, #tpu.memory_space<vmem>>) target(%dma_start3A_72 : memref<32x320xf32, #tpu.memory_space<hbm>>) target_semaphore(%arg6 : memref<!tpu.dma_semaphore, #tpu.memory_space<semaphore_mem>>)
    %add3A_73 = arith.constant 352 : i32
    %add3A_74 = arith.addi %mul3A_7, %add3A_73 : i32
    %dma_start3A_75 = arith.constant 0 : i32
    %dma_start3A_76 = tpu.memref_slice %arg3[%add3A_74, %dma_start3A_75] : memref<16384x320xf32, #tpu.memory_space<hbm>> -> memref<32x320xf32, #tpu.memory_space<hbm>>
    %dma_start3A_77 = arith.constant 0 : i32
    %dma_start3A_78 = tpu.memref_slice %arg3[%add3A_74, %dma_start3A_77] : memref<16384x320xf32, #tpu.memory_space<hbm>> -> memref<32x320xf32, #tpu.memory_space<hbm>>
    tpu.enqueue_dma source(%arg5 : memref<32x320xf32, #tpu.memory_space<vmem>>) target(%dma_start3A_78 : memref<32x320xf32, #tpu.memory_space<hbm>>) target_semaphore(%arg6 : memref<!tpu.dma_semaphore, #tpu.memory_space<semaphore_mem>>)
    %add3A_79 = arith.constant 384 : i32
    %add3A_80 = arith.addi %mul3A_7, %add3A_79 : i32
    %dma_start3A_81 = arith.constant 0 : i32
    %dma_start3A_82 = tpu.memref_slice %arg3[%add3A_80, %dma_start3A_81] : memref<16384x320xf32, #tpu.memory_space<hbm>> -> memref<32x320xf32, #tpu.memory_space<hbm>>
    %dma_start3A_83 = arith.constant 0 : i32
    %dma_start3A_84 = tpu.memref_slice %arg3[%add3A_80, %dma_start3A_83] : memref<16384x320xf32, #tpu.memory_space<hbm>> -> memref<32x320xf32, #tpu.memory_space<hbm>>
    tpu.enqueue_dma source(%arg5 : memref<32x320xf32, #tpu.memory_space<vmem>>) target(%dma_start3A_84 : memref<32x320xf32, #tpu.memory_space<hbm>>) target_semaphore(%arg6 : memref<!tpu.dma_semaphore, #tpu.memory_space<semaphore_mem>>)
    %add3A_85 = arith.constant 416 : i32
    %add3A_86 = arith.addi %mul3A_7, %add3A_85 : i32
    %dma_start3A_87 = arith.constant 0 : i32
    %dma_start3A_88 = tpu.memref_slice %arg3[%add3A_86, %dma_start3A_87] : memref<16384x320xf32, #tpu.memory_space<hbm>> -> memref<32x320xf32, #tpu.memory_space<hbm>>
    %dma_start3A_89 = arith.constant 0 : i32
    %dma_start3A_90 = tpu.memref_slice %arg3[%add3A_86, %dma_start3A_89] : memref<16384x320xf32, #tpu.memory_space<hbm>> -> memref<32x320xf32, #tpu.memory_space<hbm>>
    tpu.enqueue_dma source(%arg5 : memref<32x320xf32, #tpu.memory_space<vmem>>) target(%dma_start3A_90 : memref<32x320xf32, #tpu.memory_space<hbm>>) target_semaphore(%arg6 : memref<!tpu.dma_semaphore, #tpu.memory_space<semaphore_mem>>)
    %add3A_91 = arith.constant 448 : i32
    %add3A_92 = arith.addi %mul3A_7, %add3A_91 : i32
    %dma_start3A_93 = arith.constant 0 : i32
    %dma_start3A_94 = tpu.memref_slice %arg3[%add3A_92, %dma_start3A_93] : memref<16384x320xf32, #tpu.memory_space<hbm>> -> memref<32x320xf32, #tpu.memory_space<hbm>>
    %dma_start3A_95 = arith.constant 0 : i32
    %dma_start3A_96 = tpu.memref_slice %arg3[%add3A_92, %dma_start3A_95] : memref<16384x320xf32, #tpu.memory_space<hbm>> -> memref<32x320xf32, #tpu.memory_space<hbm>>
    tpu.enqueue_dma source(%arg5 : memref<32x320xf32, #tpu.memory_space<vmem>>) target(%dma_start3A_96 : memref<32x320xf32, #tpu.memory_space<hbm>>) target_semaphore(%arg6 : memref<!tpu.dma_semaphore, #tpu.memory_space<semaphore_mem>>)
    %add3A_97 = arith.constant 480 : i32
    %add3A_98 = arith.addi %mul3A_7, %add3A_97 : i32
    %dma_start3A_99 = arith.constant 0 : i32
    %dma_start3A_100 = tpu.memref_slice %arg3[%add3A_98, %dma_start3A_99] : memref<16384x320xf32, #tpu.memory_space<hbm>> -> memref<32x320xf32, #tpu.memory_space<hbm>>
    %dma_start3A_101 = arith.constant 0 : i32
    %dma_start3A_102 = tpu.memref_slice %arg3[%add3A_98, %dma_start3A_101] : memref<16384x320xf32, #tpu.memory_space<hbm>> -> memref<32x320xf32, #tpu.memory_space<hbm>>
    tpu.enqueue_dma source(%arg5 : memref<32x320xf32, #tpu.memory_space<vmem>>) target(%dma_start3A_102 : memref<32x320xf32, #tpu.memory_space<hbm>>) target_semaphore(%arg6 : memref<!tpu.dma_semaphore, #tpu.memory_space<semaphore_mem>>)
    %dma_wait3A = arith.constant 0 : i32
    %dma_wait3A_103 = tpu.memref_slice %arg3[%add3A_9, %dma_wait3A] : memref<16384x320xf32, #tpu.memory_space<hbm>> -> memref<32x320xf32, #tpu.memory_space<hbm>>
    %dma_wait3A_104 = arith.constant 0 : i32
    %dma_wait3A_105 = tpu.memref_slice %arg3[%add3A_9, %dma_wait3A_104] : memref<16384x320xf32, #tpu.memory_space<hbm>> -> memref<32x320xf32, #tpu.memory_space<hbm>>
    tpu.wait_dma2 semaphore(%arg6 : memref<!tpu.dma_semaphore, #tpu.memory_space<semaphore_mem>>) src(%arg5 : memref<32x320xf32, #tpu.memory_space<vmem>>) dst(%dma_wait3A_105 : memref<32x320xf32, #tpu.memory_space<hbm>>)
    %dma_wait3A_106 = arith.constant 0 : i32
    %dma_wait3A_107 = tpu.memref_slice %arg3[%add3A_14, %dma_wait3A_106] : memref<16384x320xf32, #tpu.memory_space<hbm>> -> memref<32x320xf32, #tpu.memory_space<hbm>>
    %dma_wait3A_108 = arith.constant 0 : i32
    %dma_wait3A_109 = tpu.memref_slice %arg3[%add3A_14, %dma_wait3A_108] : memref<16384x320xf32, #tpu.memory_space<hbm>> -> memref<32x320xf32, #tpu.memory_space<hbm>>
    tpu.wait_dma2 semaphore(%arg6 : memref<!tpu.dma_semaphore, #tpu.memory_space<semaphore_mem>>) src(%arg5 : memref<32x320xf32, #tpu.memory_space<vmem>>) dst(%dma_wait3A_109 : memref<32x320xf32, #tpu.memory_space<hbm>>)
    %dma_wait3A_110 = arith.constant 0 : i32
    %dma_wait3A_111 = tpu.memref_slice %arg3[%add3A_20, %dma_wait3A_110] : memref<16384x320xf32, #tpu.memory_space<hbm>> -> memref<32x320xf32, #tpu.memory_space<hbm>>
    %dma_wait3A_112 = arith.constant 0 : i32
    %dma_wait3A_113 = tpu.memref_slice %arg3[%add3A_20, %dma_wait3A_112] : memref<16384x320xf32, #tpu.memory_space<hbm>> -> memref<32x320xf32, #tpu.memory_space<hbm>>
    tpu.wait_dma2 semaphore(%arg6 : memref<!tpu.dma_semaphore, #tpu.memory_space<semaphore_mem>>) src(%arg5 : memref<32x320xf32, #tpu.memory_space<vmem>>) dst(%dma_wait3A_113 : memref<32x320xf32, #tpu.memory_space<hbm>>)
    %dma_wait3A_114 = arith.constant 0 : i32
    %dma_wait3A_115 = tpu.memref_slice %arg3[%add3A_26, %dma_wait3A_114] : memref<16384x320xf32, #tpu.memory_space<hbm>> -> memref<32x320xf32, #tpu.memory_space<hbm>>
    %dma_wait3A_116 = arith.constant 0 : i32
    %dma_wait3A_117 = tpu.memref_slice %arg3[%add3A_26, %dma_wait3A_116] : memref<16384x320xf32, #tpu.memory_space<hbm>> -> memref<32x320xf32, #tpu.memory_space<hbm>>
    tpu.wait_dma2 semaphore(%arg6 : memref<!tpu.dma_semaphore, #tpu.memory_space<semaphore_mem>>) src(%arg5 : memref<32x320xf32, #tpu.memory_space<vmem>>) dst(%dma_wait3A_117 : memref<32x320xf32, #tpu.memory_space<hbm>>)
    %dma_wait3A_118 = arith.constant 0 : i32
    %dma_wait3A_119 = tpu.memref_slice %arg3[%add3A_32, %dma_wait3A_118] : memref<16384x320xf32, #tpu.memory_space<hbm>> -> memref<32x320xf32, #tpu.memory_space<hbm>>
    %dma_wait3A_120 = arith.constant 0 : i32
    %dma_wait3A_121 = tpu.memref_slice %arg3[%add3A_32, %dma_wait3A_120] : memref<16384x320xf32, #tpu.memory_space<hbm>> -> memref<32x320xf32, #tpu.memory_space<hbm>>
    tpu.wait_dma2 semaphore(%arg6 : memref<!tpu.dma_semaphore, #tpu.memory_space<semaphore_mem>>) src(%arg5 : memref<32x320xf32, #tpu.memory_space<vmem>>) dst(%dma_wait3A_121 : memref<32x320xf32, #tpu.memory_space<hbm>>)
    %dma_wait3A_122 = arith.constant 0 : i32
    %dma_wait3A_123 = tpu.memref_slice %arg3[%add3A_38, %dma_wait3A_122] : memref<16384x320xf32, #tpu.memory_space<hbm>> -> memref<32x320xf32, #tpu.memory_space<hbm>>
    %dma_wait3A_124 = arith.constant 0 : i32
    %dma_wait3A_125 = tpu.memref_slice %arg3[%add3A_38, %dma_wait3A_124] : memref<16384x320xf32, #tpu.memory_space<hbm>> -> memref<32x320xf32, #tpu.memory_space<hbm>>
    tpu.wait_dma2 semaphore(%arg6 : memref<!tpu.dma_semaphore, #tpu.memory_space<semaphore_mem>>) src(%arg5 : memref<32x320xf32, #tpu.memory_space<vmem>>) dst(%dma_wait3A_125 : memref<32x320xf32, #tpu.memory_space<hbm>>)
    %dma_wait3A_126 = arith.constant 0 : i32
    %dma_wait3A_127 = tpu.memref_slice %arg3[%add3A_44, %dma_wait3A_126] : memref<16384x320xf32, #tpu.memory_space<hbm>> -> memref<32x320xf32, #tpu.memory_space<hbm>>
    %dma_wait3A_128 = arith.constant 0 : i32
    %dma_wait3A_129 = tpu.memref_slice %arg3[%add3A_44, %dma_wait3A_128] : memref<16384x320xf32, #tpu.memory_space<hbm>> -> memref<32x320xf32, #tpu.memory_space<hbm>>
    tpu.wait_dma2 semaphore(%arg6 : memref<!tpu.dma_semaphore, #tpu.memory_space<semaphore_mem>>) src(%arg5 : memref<32x320xf32, #tpu.memory_space<vmem>>) dst(%dma_wait3A_129 : memref<32x320xf32, #tpu.memory_space<hbm>>)
    %dma_wait3A_130 = arith.constant 0 : i32
    %dma_wait3A_131 = tpu.memref_slice %arg3[%add3A_50, %dma_wait3A_130] : memref<16384x320xf32, #tpu.memory_space<hbm>> -> memref<32x320xf32, #tpu.memory_space<hbm>>
    %dma_wait3A_132 = arith.constant 0 : i32
    %dma_wait3A_133 = tpu.memref_slice %arg3[%add3A_50, %dma_wait3A_132] : memref<16384x320xf32, #tpu.memory_space<hbm>> -> memref<32x320xf32, #tpu.memory_space<hbm>>
    tpu.wait_dma2 semaphore(%arg6 : memref<!tpu.dma_semaphore, #tpu.memory_space<semaphore_mem>>) src(%arg5 : memref<32x320xf32, #tpu.memory_space<vmem>>) dst(%dma_wait3A_133 : memref<32x320xf32, #tpu.memory_space<hbm>>)
    %dma_wait3A_134 = arith.constant 0 : i32
    %dma_wait3A_135 = tpu.memref_slice %arg3[%add3A_56, %dma_wait3A_134] : memref<16384x320xf32, #tpu.memory_space<hbm>> -> memref<32x320xf32, #tpu.memory_space<hbm>>
    %dma_wait3A_136 = arith.constant 0 : i32
    %dma_wait3A_137 = tpu.memref_slice %arg3[%add3A_56, %dma_wait3A_136] : memref<16384x320xf32, #tpu.memory_space<hbm>> -> memref<32x320xf32, #tpu.memory_space<hbm>>
    tpu.wait_dma2 semaphore(%arg6 : memref<!tpu.dma_semaphore, #tpu.memory_space<semaphore_mem>>) src(%arg5 : memref<32x320xf32, #tpu.memory_space<vmem>>) dst(%dma_wait3A_137 : memref<32x320xf32, #tpu.memory_space<hbm>>)
    %dma_wait3A_138 = arith.constant 0 : i32
    %dma_wait3A_139 = tpu.memref_slice %arg3[%add3A_62, %dma_wait3A_138] : memref<16384x320xf32, #tpu.memory_space<hbm>> -> memref<32x320xf32, #tpu.memory_space<hbm>>
    %dma_wait3A_140 = arith.constant 0 : i32
    %dma_wait3A_141 = tpu.memref_slice %arg3[%add3A_62, %dma_wait3A_140] : memref<16384x320xf32, #tpu.memory_space<hbm>> -> memref<32x320xf32, #tpu.memory_space<hbm>>
    tpu.wait_dma2 semaphore(%arg6 : memref<!tpu.dma_semaphore, #tpu.memory_space<semaphore_mem>>) src(%arg5 : memref<32x320xf32, #tpu.memory_space<vmem>>) dst(%dma_wait3A_141 : memref<32x320xf32, #tpu.memory_space<hbm>>)
    %dma_wait3A_142 = arith.constant 0 : i32
    %dma_wait3A_143 = tpu.memref_slice %arg3[%add3A_68, %dma_wait3A_142] : memref<16384x320xf32, #tpu.memory_space<hbm>> -> memref<32x320xf32, #tpu.memory_space<hbm>>
    %dma_wait3A_144 = arith.constant 0 : i32
    %dma_wait3A_145 = tpu.memref_slice %arg3[%add3A_68, %dma_wait3A_144] : memref<16384x320xf32, #tpu.memory_space<hbm>> -> memref<32x320xf32, #tpu.memory_space<hbm>>
    tpu.wait_dma2 semaphore(%arg6 : memref<!tpu.dma_semaphore, #tpu.memory_space<semaphore_mem>>) src(%arg5 : memref<32x320xf32, #tpu.memory_space<vmem>>) dst(%dma_wait3A_145 : memref<32x320xf32, #tpu.memory_space<hbm>>)
    %dma_wait3A_146 = arith.constant 0 : i32
    %dma_wait3A_147 = tpu.memref_slice %arg3[%add3A_74, %dma_wait3A_146] : memref<16384x320xf32, #tpu.memory_space<hbm>> -> memref<32x320xf32, #tpu.memory_space<hbm>>
    %dma_wait3A_148 = arith.constant 0 : i32
    %dma_wait3A_149 = tpu.memref_slice %arg3[%add3A_74, %dma_wait3A_148] : memref<16384x320xf32, #tpu.memory_space<hbm>> -> memref<32x320xf32, #tpu.memory_space<hbm>>
    tpu.wait_dma2 semaphore(%arg6 : memref<!tpu.dma_semaphore, #tpu.memory_space<semaphore_mem>>) src(%arg5 : memref<32x320xf32, #tpu.memory_space<vmem>>) dst(%dma_wait3A_149 : memref<32x320xf32, #tpu.memory_space<hbm>>)
    %dma_wait3A_150 = arith.constant 0 : i32
    %dma_wait3A_151 = tpu.memref_slice %arg3[%add3A_80, %dma_wait3A_150] : memref<16384x320xf32, #tpu.memory_space<hbm>> -> memref<32x320xf32, #tpu.memory_space<hbm>>
    %dma_wait3A_152 = arith.constant 0 : i32
    %dma_wait3A_153 = tpu.memref_slice %arg3[%add3A_80, %dma_wait3A_152] : memref<16384x320xf32, #tpu.memory_space<hbm>> -> memref<32x320xf32, #tpu.memory_space<hbm>>
    tpu.wait_dma2 semaphore(%arg6 : memref<!tpu.dma_semaphore, #tpu.memory_space<semaphore_mem>>) src(%arg5 : memref<32x320xf32, #tpu.memory_space<vmem>>) dst(%dma_wait3A_153 : memref<32x320xf32, #tpu.memory_space<hbm>>)
    %dma_wait3A_154 = arith.constant 0 : i32
    %dma_wait3A_155 = tpu.memref_slice %arg3[%add3A_86, %dma_wait3A_154] : memref<16384x320xf32, #tpu.memory_space<hbm>> -> memref<32x320xf32, #tpu.memory_space<hbm>>
    %dma_wait3A_156 = arith.constant 0 : i32
    %dma_wait3A_157 = tpu.memref_slice %arg3[%add3A_86, %dma_wait3A_156] : memref<16384x320xf32, #tpu.memory_space<hbm>> -> memref<32x320xf32, #tpu.memory_space<hbm>>
    tpu.wait_dma2 semaphore(%arg6 : memref<!tpu.dma_semaphore, #tpu.memory_space<semaphore_mem>>) src(%arg5 : memref<32x320xf32, #tpu.memory_space<vmem>>) dst(%dma_wait3A_157 : memref<32x320xf32, #tpu.memory_space<hbm>>)
    %dma_wait3A_158 = arith.constant 0 : i32
    %dma_wait3A_159 = tpu.memref_slice %arg3[%add3A_92, %dma_wait3A_158] : memref<16384x320xf32, #tpu.memory_space<hbm>> -> memref<32x320xf32, #tpu.memory_space<hbm>>
    %dma_wait3A_160 = arith.constant 0 : i32
    %dma_wait3A_161 = tpu.memref_slice %arg3[%add3A_92, %dma_wait3A_160] : memref<16384x320xf32, #tpu.memory_space<hbm>> -> memref<32x320xf32, #tpu.memory_space<hbm>>
    tpu.wait_dma2 semaphore(%arg6 : memref<!tpu.dma_semaphore, #tpu.memory_space<semaphore_mem>>) src(%arg5 : memref<32x320xf32, #tpu.memory_space<vmem>>) dst(%dma_wait3A_161 : memref<32x320xf32, #tpu.memory_space<hbm>>)
    %dma_wait3A_162 = arith.constant 0 : i32
    %dma_wait3A_163 = tpu.memref_slice %arg3[%add3A_98, %dma_wait3A_162] : memref<16384x320xf32, #tpu.memory_space<hbm>> -> memref<32x320xf32, #tpu.memory_space<hbm>>
    %dma_wait3A_164 = arith.constant 0 : i32
    %dma_wait3A_165 = tpu.memref_slice %arg3[%add3A_98, %dma_wait3A_164] : memref<16384x320xf32, #tpu.memory_space<hbm>> -> memref<32x320xf32, #tpu.memory_space<hbm>>
    tpu.wait_dma2 semaphore(%arg6 : memref<!tpu.dma_semaphore, #tpu.memory_space<semaphore_mem>>) src(%arg5 : memref<32x320xf32, #tpu.memory_space<vmem>>) dst(%dma_wait3A_165 : memref<32x320xf32, #tpu.memory_space<hbm>>)
    return
  }
}

</mosaic_0001>

<sc_bundles>
// kernel: kernel.3.cloned.1.call-start
scs
__scs_entry_jumppad:
0x0: {  	(pc) =	sbr.rel $0x88, $3  }
0x1: {  	(tag) =	ssettag $0x0;
	lr =	simm.s32 $0x1  }
0x2: {  	[smem:$0x3FA0] =	sst lr;
	_ =	strace $0xD0000000  }
0x3: {  	_ = 	snop  }
0x4: {  	_ = 	snop  }
0x5: {  	_ = 	snop  }
0x6: {  	_ = 	snop  }
0x7: {  	_ = 	snop  }
__scs_overlays_trampoline_lowered:
0x8: {  	[smem:$0x3FAF] =	sst s0  }
0x9: {  	[smem:$0x3FB0] =	sst s1  }
0xa: {  	[smem:$0x3FB1] =	sst s2  }
0xb: {  	[smem:$0x3FB2] =	sst s3  }
0xc: {  	[smem:$0x3FB3] =	sst s4  }
0xd: {  	[smem:$0x3FB4] =	sst s5  }
0xe: {  	[smem:$0x3FB5] =	sst s6  }
0xf: {  	[smem:$0x3FB6] =	sst s7  }
0x10: {  	[smem:$0x3FB7] =	sst s8  }
0x11: {  	[smem:$0x3FB8] =	sst s9;
	s0 =	simm.s32 @!p0 $0x0  }
0x12: {  	s1 =	sld [smem:$0x3F9E];
	s0 =	simm.s32 @p0 $0x1  }
0x13: {  	[smem:$0x3FB9] =	sst s0;
	s0 =	simm.s32 @!p1 $0x0  }
0x14: {  	s2 =	sld [smem:$0x3F9D];
	s0 =	simm.s32 @p1 $0x1  }
0x15: {  	[smem:$0x3FBA] =	sst s0;
	s0 =	simm.s32 @!p2 $0x0  }
0x16: {  	s3 =	sld [smem:$0x3FDB];
	s0 =	simm.s32 @p2 $0x1  }
0x17: {  	s4 =	simm.s32 $0x1BF5;
	[smem:$0x3FBC] =	sst s0  }
0x18: {  	s0 =	sld [smem:$0x3F9F];
	_ =	swait.ge [sflag:s4], $0x0  }
0x19: {  	s7 =	sld [smem:$0x3FA0]  }
0x1a: {  	s8 =	sadd.s32 $0xFFFFE003, lr  }
0x1b: {  	s9 =	sadd.s32 $0xFFFFFEF7, lr;
	s5 =	simm.s32 $0xFFFFFFFF;
	p2 =	slt.u32 s8, $0xFFFFF086  }
0x1c: {  	p1 =	slt.u32 s9, $0xF7A;
	s5 =	simm.s32 @!p2 $0x0  }
0x1d: {  	s5 =	simm.s32 @p1 $0x1;
	p0 =	seq.s32 s7, s2  }
0x1e: {  	s7 =	smul.u32 @!p0 $0xF7A, s2;
	p2 =	seq.s32 @!p0 s5, $0x0  }
0x1f: {  	s9 =	smul.u32 $0xF7A, s1;
	s8 =	simm.s32 @!p0 $0x1BF5;
	p2 =	por !p2, p0  }
0x20: {  	[sflag:s8] =	ssyncset.s32 @!p0 $0xFFFFF086;
	s6 =	sadd.s32 @!p0 s3, s7;
	s7 =	simm.s32 @!p0 $0x108  }
0x21: {  	s3 =	sadd.s32 s3, s9;
	s6 =	sadd.s32 @!p0 $0x88, s6;
	s7 =	simm.s32 @p2 $0x1082  }
0x22: {  	[simem:s7], [sflag:s8] =	dma.local @!p0 [hbm:s6], $0xF7A  }
0x23: {  	s9 =	sor.u32 $0xD0000000, s2;
	s6 =	simm.s32 $0x108;
	_ =	swait.ge @!p0 [sflag:s8], $0x0  }
0x24: {  	s3 =	sadd.s32 $0x88, s3;
	s6 =	simm.s32 @!p1 $0x1082;
	[sflag:s4] =	ssyncset.s32 $0xFFFFF086  }
0x25: {  	[simem:s6], [sflag:s4] =	dma.local [hbm:s3], $0xF7A  }
0x26: {  	[smem:$0x3FA0] =	sst s1;
	(tag) =	ssettag s2;
	_ =	strace s9  }
0x27: {  	s1 =	sld [smem:$0x3FB0]  }
0x28: {  	s2 =	sld [smem:$0x3FB1]  }
0x29: {  	s4 =	sld [smem:$0x3FB3]  }
0x2a: {  	p0 =	seq.s32 s5, $0x0;
	s5 =	sld [smem:$0x3FB4]  }
0x2b: {  	s6 =	sld [smem:$0x3FB5]  }
0x2c: {  	s7 =	sld [smem:$0x3FB6]  }
0x2d: {  	s3 =	simm.s32 $0x108;
	s8 =	sld [smem:$0x3FB7]  }
0x2e: {  	s3 =	simm.s32 @!p0 $0x1082;
	s9 =	sld [smem:$0x3FB8]  }
0x2f: {  	lr =	sadd.s32 s0, s3;
	s0 =	sld [smem:$0x3FAF]  }
0x30: {  	s3 =	sld [smem:$0x3FB2]  }
0x31: {  	[smem:$0x3FBB] =	sst s10  }
0x32: {  	s10 =	sld [smem:$0x3FB9];
	_ =	sdelay $0x3  }
0x33: {  	p0 =	seq.s32 s10, $0x1;
	s10 =	sld [smem:$0x3FBB];
	_ =	sdelay $0x3  }
0x34: {  	[smem:$0x3FBB] =	sst s10  }
0x35: {  	s10 =	sld [smem:$0x3FBA];
	_ =	sdelay $0x3  }
0x36: {  	p1 =	seq.s32 s10, $0x1;
	s10 =	sld [smem:$0x3FBB];
	_ =	sdelay $0x3  }
0x37: {  	[smem:$0x3FBB] =	sst s10  }
0x38: {  	s10 =	sld [smem:$0x3FBC]  }
0x39: {  	_ = 	snop;
	(pc) =	sbr.ind lr, $3  }
0x3a: {  	_ = 	snop  }
0x3b: {  	_ = 	snop  }
0x3c: {  	p2 =	seq.s32 s10, $0x1;
	s10 =	sld [smem:$0x3FBB]  }
0x3d: {  	_ =	shalt  }
0x3e: {  	_ =	shalt  }
0x3f: {  	_ =	shalt  }
0x40: {  	_ =	shalt  }
0x41: {  	_ =	shalt  }
0x42: {  	_ =	shalt  }
0x43: {  	_ =	shalt  }
0x44: {  	_ =	shalt  }
0x45: {  	_ =	shalt  }
0x46: {  	_ =	shalt  }
0x47: {  	_ =	shalt  }
0x48: {  	_ =	shalt  }
0x49: {  	_ =	shalt  }
0x4a: {  	_ =	shalt  }
0x4b: {  	_ =	shalt  }
0x4c: {  	_ =	shalt  }
0x4d: {  	_ =	shalt  }
0x4e: {  	_ =	shalt  }
0x4f: {  	_ =	shalt  }
0x50: {  	_ =	shalt  }
0x51: {  	_ =	shalt  }
0x52: {  	_ =	shalt  }
0x53: {  	_ =	shalt  }
0x54: {  	_ =	shalt  }
0x55: {  	_ =	shalt  }
0x56: {  	_ =	shalt  }
0x57: {  	_ =	shalt  }
0x58: {  	_ =	shalt  }
0x59: {  	_ =	shalt  }
0x5a: {  	_ =	shalt  }
0x5b: {  	_ =	shalt  }
0x5c: {  	_ =	shalt  }
0x5d: {  	_ =	shalt  }
0x5e: {  	_ =	shalt  }
0x5f: {  	_ =	shalt  }
0x60: {  	_ =	shalt  }
0x61: {  	_ =	shalt  }
0x62: {  	_ =	shalt  }
0x63: {  	_ =	shalt  }
0x64: {  	_ =	shalt  }
0x65: {  	_ =	shalt  }
0x66: {  	_ =	shalt  }
0x67: {  	_ =	shalt  }
0x68: {  	_ =	shalt  }
0x69: {  	_ =	shalt  }
0x6a: {  	_ =	shalt  }
0x6b: {  	_ =	shalt  }
0x6c: {  	_ =	shalt  }
0x6d: {  	_ =	shalt  }
0x6e: {  	_ =	shalt  }
0x6f: {  	_ =	shalt  }
0x70: {  	_ =	shalt  }
0x71: {  	_ =	shalt  }
0x72: {  	_ =	shalt  }
0x73: {  	_ =	shalt  }
0x74: {  	_ =	shalt  }
0x75: {  	_ =	shalt  }
0x76: {  	_ =	shalt  }
0x77: {  	_ =	shalt  }
0x78: {  	_ =	shalt  }
0x79: {  	_ =	shalt  }
0x7a: {  	_ =	shalt  }
0x7b: {  	_ =	shalt  }
0x7c: {  	_ =	shalt  }
0x7d: {  	_ =	shalt  }
0x7e: {  	_ =	shalt  }
0x7f: {  	_ =	shalt  }
0x80: {  	_ =	shalt  }
0x81: {  	_ =	shalt  }
0x82: {  	_ =	shalt  }
0x83: {  	_ =	shalt  }
0x84: {  	_ =	shalt  }
0x85: {  	_ =	shalt  }
0x86: {  	_ =	shalt  }
0x87: {  	_ =	shalt  }
.Lfunc_end0:
.L_simem_size_0:
called_computation_lowered:
.L_overlay_start_0:
0x88: {  	s2 =	sld [smem:$0x3FD9]  }
0x89: {  	s3 =	sld [smem:$0x3FFE];
	_ =	sdelay $0x1  }
0x8a: {  	s1 =	srdreg.scid  }
0x8b: {  	s0 =	sand.u32 $0x1, s1  }
0x8c: {  	s17 =	sshll.u32 s0, $0xA;
	s2 =	sadd.s32 s3, s2  }
0x8d: {  	s2 =	sadd.s32 s2, s17  }
0x8e: {  	[smem:$0x3FC7] =	sst s2  }
0x8f: {  	_ = 	snop  }
0x90: {  	s2 =	sld [smem:$0x3FD0];
	(tm) =	ssettm $0x1  }
0x91: {  	s18 =	sld [smem:$0x3FFB];
	_ =	sdelay $0x3  }
0x92: {  	_ =	strace s18  }
0x93: {  	s3 =	sld [smem:$0x3FFC];
	_ =	sdelay $0x3  }
0x94: {  	_ =	strace s3  }
0x95: {  	s3 =	sld [smem:$0x3FFD];
	_ =	sdelay $0x3  }
0x96: {  	_ =	strace s3  }
0x97: {  	_ =	strace $0x8FFFFFFF  }
0x98: {  	s19 =	sld [smem:$0x3FDB];
	_ =	sdelay $0x1  }
0x99: {  	s4 =	simm.s32 $_scs_section_size  }
0x9a: {  	s5 =	simm.s32 $_size__tile_overlayer_lowered;
	s6 =	simm.s32 $_tile_overlayer_lowered  }
0x9b: {  	s22 =	simm.s32 $0x1BFF;
	s21 =	sshll.u32 s6, $0x1;
	s3 =	sadd.s32 s4, s19  }
0x9c: {  	s7 =	simm.s32 $0x0;
	s20 =	sshll.u32 s5, $0x1;
	s5 =	sadd.s32 s21, s3  }
0x9d: {  	[timem:s7], [sflag:s22] =	dma.local [hbm:s5], s20  }
0x9e: {  	_ =	swait.ge [sflag:s22], s20  }
0x9f: {  	s4 =	ssub.s32 $0x0, s20;
	[sflag:s22] =	ssyncset.done $0x0  }
0xa0: {  	[sflag:s22] =	ssyncadd.s32 s4;
	_ =	sdelay $0x1  }
0xa1: {  	s23 =	simm.s32 $0x1B8B  }
0xa2: {  	_ =	swait.ge [sflag:s23], $0x1  }
0xa3: {  	[sflag:s23] =	ssyncset.done $0x0  }
0xa4: {  	s25 =	simm.s32 $0x1B8E;
	s24 =	sld [smem:$0x3FFE];
	[sflag:s23] =	ssyncadd.s32 $0xFFFFFFFF  }
0xa5: {  	s26 =	simm.s32 $execute0_lowered;
	[smem:$0x3FD2] =	sst s25  }
0xa6: {  	s5 =	sshll.u32 s26, $0x1;
	_ =	strace $0x80000046;
	[dreg:$0x1] =	wrdreg $0xFFFFFFFF  }
0xa7: {  	s28 =	simm.s32 $_size_execute0_lowered;
	s3 =	sadd.s32 s3, s5;
	[dreg:$0x0] =	wrdreg $0x0  }
0xa8: {  	s5 =	sshll.u32 s28, $0x1;
	[dreg:$0x2] =	wrdreg s3  }
0xa9: {  	[dreg:$0x3] =	wrdreg s5  }
0xaa: {  	[dreg:$0x4] =	wrdreg $0xC0  }
0xab: {  	_ =	task [dreg:s7], $0x5FFFF  }
0xac: {  	[dreg:$0x1] =	wrdreg $0xFFFFFFFF  }
0xad: {  	[dreg:$0x0] =	wrdreg $0x60  }
0xae: {  	[dreg:$0x2] =	wrdreg s2  }
0xaf: {  	[dreg:$0x3] =	wrdreg s24  }
0xb0: {  	[dreg:$0x4] =	wrdreg $0x9  }
0xb1: {  	_ =	task.clear_ibuf [dreg:s7], $0x5FFFF;
	_ =	strace $0x90000046  }
0xb2: {  	s29 =	simm.s32 $0x9;
	_ =	strace $0x80000048  }
0xb3: {  	_ =	swait.ge [sflag:s29], $0x1  }
0xb4: {  	[sflag:s29] =	ssyncadd.s32 $0xFFFFFFFF  }
0xb5: {  	_ =	strace $0x90000048  }
0xb6: {  	_ =	sfence  }
0xb7: {  	s30 =	sld [smem:$0x0];
	_ =	sdelay $0x2  }
0xb8: {  	s31 =	sshll.u32 s1, $0xD;
	s1 =	sshrl.u32 s1, $0x2  }
0xb9: {  	s3 =	sand.u32 $0x4000, s31;
	s1 =	sadd.s32 s1, s30  }
0xba: {  	s0 =	sor.u32 s3, s0;
	s1 =	sshll.u32 s1, $0x11  }
0xbb: {  	s0 =	sor.u32 s1, s0  }
0xbc: {  	s0 =	sadd.s32 $0x8F2B, s0  }
0xbd: {  	[sflag:s0] =	ssyncadd.remote.s32 $0x1  }
0xbe: {  	_ =	sfence.sel $0xFFFF  }
0xbf: {  	[dreg:$0x0] =	wrdreg $0xFFFFFFFF;
	(pc) =	sbr.abs _section_cstart, $3  }
0xc0: {  	[dreg:$0x1] =	wrdreg $0xFFFFFFFF  }
0xc1: {  	_ =	task.clear_ibuf [dreg:s7], $0x2FFFF;
	_ =	strace $0x9FFFFFFF  }
0xc2: {  	(tm) =	ssettm $0x7FFFFFFF  }
0xc3: {  	_ =	shalt  }
tec
execute0_lowered:
.L_overlay_start_1:
0x0: {  	(tag) =	ssettag $0x1  }
0x1: {  	s1 =	srdreg.scid;
	s2 =	rddreg [dreg:$0x0]  }
0x2: {  	s0 =	stileid.u32;
	s5 =	rddreg [dreg:$0x1];
	s21 =	simm.s32 $0x2  }
0x3: {  	s22 =	simm.s32 $0x180;
	s23 =	simm.s32 $0x1;
	s4 =	sand.u32 $0x1, s1  }
0x4: {  	s24 =	simm.s32 $0x0;
	s30 =	sshll.u32 s0, $0x7;
	s3 =	sshll.u32 s4, $0x6  }
0x5: {  	s1 =	rddreg [dreg:$0x2];
	s10 =	sadd.s32 $0x400, s5;
	s6 =	sor.u32 s3, s30  }
0x6: {  	s31 =	ssub.s32 $0x2, s4;
	s3 =	simm.s32 $0x0;
	s7 =	smul.u32 $0x180, s6  }
0x7: {  	s8 =	sshrl.u32 s31, $0x1;
	[smem:$0x7FF] =	sst s3;
	s9 =	smul.u32 $0xC00, s6  }
0x8: {  	s20 =	ssub.s32 s31, s8;
	_ =	strace $0x80000047;
	s4 =	sadd.s32 s10, s7  }
0x9: {  	s20 =	smax.u32 s20, $0x1;
	s11 =	sshrl.u32 s9, $0x3;
	s5 =	sadd.s32 $0x600, s4  }
0xa: {  	s6 =	sadd.s32 $0xC00, s4;
	s7 =	sadd.s32 $0x1200, s4;
	s19 =	sadd.s32 s10, s11  }
0xb: {  	s8 =	sadd.s32 $0x1800, s4;
	s9 =	sadd.s32 $0x1E00, s4;
	s10 =	sadd.s32 $0x2400, s19  }
0xc: {  	s11 =	sadd.s32 $0x2A00, s19;
	s12 =	sadd.s32 $0x3000, s19;
	s13 =	sadd.s32 $0x3600, s19  }
0xd: {  	s14 =	sadd.s32 $0x3C00, s19;
	s15 =	sadd.s32 $0x4200, s19;
	s16 =	sadd.s32 $0x4800, s19  }
0xe: {  	s17 =	sadd.s32 $0x4E00, s19;
	s18 =	sadd.s32 $0x5400, s19;
	s19 =	sadd.s32 $0x5A00, s19  }
.LBB2_1:
0xf: {  	[tilespmem:s3], [sflag:$0x2] =	stream.linear.gather [hbm4b:s2+s3], $0x180, $0x38;
	[tilespmem:$0x3180] =	vst v63  }
0x10: {  	_ =	swait.ge [sflag:s21], $0x180  }
0x11: {  	[sflag:s21] =	ssyncset.done $0x0  }
0x12: {  	[sflag:s21] =	ssyncadd.s32 $0xFFFFFE80  }
0x13: {  	s25 =	simm.s32 $0x0;
	v0 =	vld [tilespmem:$0x0]  }
0x14: {  	s25 =	smul.u32 $0x3000, s25;
	_ =	sdelay $0x1  }
0x15: {  	s26 =	sand.u32 $0x380, s3;
	s25 =	sshra.s32 s25, $0x2  }
0x16: {  	s25 =	sor.u32 s26, s25  }
0x17: {  	[tilespmem:s25+$0x180] =	vst v0  }
0x18: {  	v0 =	vld [tilespmem:$0x10];
	_ =	sdelay $0x4  }
0x19: {  	[tilespmem:s25+$0x190] =	vst v0  }
0x1a: {  	v0 =	vld [tilespmem:$0x20];
	_ =	sdelay $0x4  }
0x1b: {  	[tilespmem:s25+$0x1A0] =	vst v0  }
0x1c: {  	v0 =	vld [tilespmem:$0x30];
	_ =	sdelay $0x4  }
0x1d: {  	[tilespmem:s25+$0x1B0] =	vst v0  }
0x1e: {  	v0 =	vld [tilespmem:$0x40];
	_ =	sdelay $0x4  }
0x1f: {  	[tilespmem:s25+$0x1C0] =	vst v0  }
0x20: {  	v0 =	vld [tilespmem:$0x50];
	_ =	sdelay $0x4  }
0x21: {  	[tilespmem:s25+$0x1D0] =	vst v0  }
0x22: {  	v0 =	vld [tilespmem:$0x60];
	_ =	sdelay $0x4  }
0x23: {  	[tilespmem:s25+$0x1E0] =	vst v0  }
0x24: {  	v0 =	vld [tilespmem:$0x70];
	_ =	sdelay $0x4  }
0x25: {  	[tilespmem:s25+$0x1F0] =	vst v0  }
0x26: {  	v0 =	vld [tilespmem:$0x80];
	_ =	sdelay $0x4  }
0x27: {  	[tilespmem:s25+$0x580] =	vst v0  }
0x28: {  	v0 =	vld [tilespmem:$0x90];
	_ =	sdelay $0x4  }
0x29: {  	[tilespmem:s25+$0x590] =	vst v0  }
0x2a: {  	v0 =	vld [tilespmem:$0xA0];
	_ =	sdelay $0x4  }
0x2b: {  	[tilespmem:s25+$0x5A0] =	vst v0  }
0x2c: {  	v0 =	vld [tilespmem:$0xB0];
	_ =	sdelay $0x4  }
0x2d: {  	[tilespmem:s25+$0x5B0] =	vst v0  }
0x2e: {  	v0 =	vld [tilespmem:$0xC0];
	_ =	sdelay $0x4  }
0x2f: {  	[tilespmem:s25+$0x5C0] =	vst v0  }
0x30: {  	v0 =	vld [tilespmem:$0xD0];
	_ =	sdelay $0x4  }
0x31: {  	[tilespmem:s25+$0x5D0] =	vst v0  }
0x32: {  	v0 =	vld [tilespmem:$0xE0];
	_ =	sdelay $0x4  }
0x33: {  	[tilespmem:s25+$0x5E0] =	vst v0  }
0x34: {  	v0 =	vld [tilespmem:$0xF0];
	_ =	sdelay $0x4  }
0x35: {  	[tilespmem:s25+$0x5F0] =	vst v0  }
0x36: {  	v0 =	vld [tilespmem:$0x100];
	_ =	sdelay $0x4  }
0x37: {  	[tilespmem:s25+$0x980] =	vst v0  }
0x38: {  	v0 =	vld [tilespmem:$0x110];
	_ =	sdelay $0x4  }
0x39: {  	[tilespmem:s25+$0x990] =	vst v0  }
0x3a: {  	v0 =	vld [tilespmem:$0x120];
	_ =	sdelay $0x4  }
0x3b: {  	[tilespmem:s25+$0x9A0] =	vst v0  }
0x3c: {  	v0 =	vld [tilespmem:$0x130];
	_ =	sdelay $0x4  }
0x3d: {  	[tilespmem:s25+$0x9B0] =	vst v0  }
0x3e: {  	s28 =	simm.s32 $0x0;
	s26 =	simm.s32 $0x2;
	s25 =	simm.s32 $0x0;
	v0 =	vld [tilespmem:$0x0]  }
.LBB2_2:
0x3f: {  	p0 =	sne.s32 s26, $0x1F;
	s28 =	smul.u32 $0x3000, s28  }
0x40: {  	s25 =	sadd.s32 $0x80, s25  }
0x41: {  	s29 =	sand.u32 $0x380, s25;
	s28 =	sshra.s32 s28, $0x2  }
0x42: {  	s28 =	sor.u32 s29, s28  }
0x43: {  	[tilespmem:s28+$0x180] =	vst v0  }
0x44: {  	v0 =	vld [tilespmem:$0x10];
	_ =	sdelay $0x4  }
0x45: {  	[tilespmem:s28+$0x190] =	vst v0  }
0x46: {  	v0 =	vld [tilespmem:$0x20];
	_ =	sdelay $0x4  }
0x47: {  	[tilespmem:s28+$0x1A0] =	vst v0  }
0x48: {  	v0 =	vld [tilespmem:$0x30];
	_ =	sdelay $0x4  }
0x49: {  	[tilespmem:s28+$0x1B0] =	vst v0  }
0x4a: {  	v0 =	vld [tilespmem:$0x40];
	_ =	sdelay $0x4  }
0x4b: {  	[tilespmem:s28+$0x1C0] =	vst v0  }
0x4c: {  	v0 =	vld [tilespmem:$0x50];
	_ =	sdelay $0x4  }
0x4d: {  	[tilespmem:s28+$0x1D0] =	vst v0  }
0x4e: {  	v0 =	vld [tilespmem:$0x60];
	_ =	sdelay $0x4  }
0x4f: {  	[tilespmem:s28+$0x1E0] =	vst v0  }
0x50: {  	v0 =	vld [tilespmem:$0x70];
	_ =	sdelay $0x4  }
0x51: {  	[tilespmem:s28+$0x1F0] =	vst v0  }
0x52: {  	v0 =	vld [tilespmem:$0x80];
	_ =	sdelay $0x4  }
0x53: {  	[tilespmem:s28+$0x580] =	vst v0  }
0x54: {  	v0 =	vld [tilespmem:$0x90];
	_ =	sdelay $0x4  }
0x55: {  	[tilespmem:s28+$0x590] =	vst v0  }
0x56: {  	v0 =	vld [tilespmem:$0xA0];
	_ =	sdelay $0x4  }
0x57: {  	[tilespmem:s28+$0x5A0] =	vst v0  }
0x58: {  	v0 =	vld [tilespmem:$0xB0];
	_ =	sdelay $0x4  }
0x59: {  	[tilespmem:s28+$0x5B0] =	vst v0  }
0x5a: {  	v0 =	vld [tilespmem:$0xC0];
	_ =	sdelay $0x4  }
0x5b: {  	[tilespmem:s28+$0x5C0] =	vst v0  }
0x5c: {  	v0 =	vld [tilespmem:$0xD0];
	_ =	sdelay $0x4  }
0x5d: {  	[tilespmem:s28+$0x5D0] =	vst v0  }
0x5e: {  	v0 =	vld [tilespmem:$0xE0];
	_ =	sdelay $0x4  }
0x5f: {  	[tilespmem:s28+$0x5E0] =	vst v0  }
0x60: {  	v0 =	vld [tilespmem:$0xF0];
	_ =	sdelay $0x4  }
0x61: {  	[tilespmem:s28+$0x5F0] =	vst v0  }
0x62: {  	v0 =	vld [tilespmem:$0x100];
	_ =	sdelay $0x4  }
0x63: {  	[tilespmem:s28+$0x980] =	vst v0  }
0x64: {  	v0 =	vld [tilespmem:$0x110];
	_ =	sdelay $0x4  }
0x65: {  	[tilespmem:s28+$0x990] =	vst v0  }
0x66: {  	v0 =	vld [tilespmem:$0x120];
	_ =	sdelay $0x4  }
0x67: {  	[tilespmem:s28+$0x9A0] =	vst v0  }
0x68: {  	v0 =	vld [tilespmem:$0x130];
	_ =	sdelay $0x1  }
.Ltmp0:
0x69: {  	(pc) =	sbr.rel @p0 .LBB2_2-.Ltmp0, $3  }
0x6a: {  	_ =	sdelay $0x1  }
0x6b: {  	[tilespmem:s28+$0x9B0] =	vst v0  }
0x6c: {  	s28 =	sshrl.u32 s26, $0x3;
	s26 =	sadd.s32 $0x1, s26;
	v0 =	vld [tilespmem:$0x0]  }
0x6d: {  	s26 =	smul.u32 $0x3000, s28  }
0x6e: {  	s25 =	sadd.s32 $0x80, s25  }
0x6f: {  	s25 =	sand.u32 $0x380, s25;
	s26 =	sshra.s32 s26, $0x2  }
0x70: {  	s25 =	sor.u32 s25, s26  }
0x71: {  	[tilespmem:s25+$0x180] =	vst v0  }
0x72: {  	v0 =	vld [tilespmem:$0x10];
	_ =	sdelay $0x4  }
0x73: {  	[tilespmem:s25+$0x190] =	vst v0  }
0x74: {  	v0 =	vld [tilespmem:$0x20];
	_ =	sdelay $0x4  }
0x75: {  	[tilespmem:s25+$0x1A0] =	vst v0  }
0x76: {  	v0 =	vld [tilespmem:$0x30];
	_ =	sdelay $0x4  }
0x77: {  	[tilespmem:s25+$0x1B0] =	vst v0  }
0x78: {  	v0 =	vld [tilespmem:$0x40];
	_ =	sdelay $0x4  }
0x79: {  	[tilespmem:s25+$0x1C0] =	vst v0  }
0x7a: {  	v0 =	vld [tilespmem:$0x50];
	_ =	sdelay $0x4  }
0x7b: {  	[tilespmem:s25+$0x1D0] =	vst v0  }
0x7c: {  	v0 =	vld [tilespmem:$0x60];
	_ =	sdelay $0x4  }
0x7d: {  	[tilespmem:s25+$0x1E0] =	vst v0  }
0x7e: {  	v0 =	vld [tilespmem:$0x70];
	_ =	sdelay $0x4  }
0x7f: {  	[tilespmem:s25+$0x1F0] =	vst v0  }
0x80: {  	v0 =	vld [tilespmem:$0x80];
	_ =	sdelay $0x4  }
0x81: {  	[tilespmem:s25+$0x580] =	vst v0  }
0x82: {  	v0 =	vld [tilespmem:$0x90];
	_ =	sdelay $0x4  }
0x83: {  	[tilespmem:s25+$0x590] =	vst v0  }
0x84: {  	v0 =	vld [tilespmem:$0xA0];
	_ =	sdelay $0x4  }
0x85: {  	[tilespmem:s25+$0x5A0] =	vst v0  }
0x86: {  	v0 =	vld [tilespmem:$0xB0];
	_ =	sdelay $0x4  }
0x87: {  	[tilespmem:s25+$0x5B0] =	vst v0  }
0x88: {  	v0 =	vld [tilespmem:$0xC0];
	_ =	sdelay $0x4  }
0x89: {  	[tilespmem:s25+$0x5C0] =	vst v0  }
0x8a: {  	v0 =	vld [tilespmem:$0xD0];
	_ =	sdelay $0x4  }
0x8b: {  	[tilespmem:s25+$0x5D0] =	vst v0  }
0x8c: {  	v0 =	vld [tilespmem:$0xE0];
	_ =	sdelay $0x4  }
0x8d: {  	[tilespmem:s25+$0x5E0] =	vst v0  }
0x8e: {  	v0 =	vld [tilespmem:$0xF0];
	_ =	sdelay $0x4  }
0x8f: {  	[tilespmem:s25+$0x5F0] =	vst v0  }
0x90: {  	v0 =	vld [tilespmem:$0x100];
	_ =	sdelay $0x4  }
0x91: {  	[tilespmem:s25+$0x980] =	vst v0  }
0x92: {  	v0 =	vld [tilespmem:$0x110];
	_ =	sdelay $0x4  }
0x93: {  	[tilespmem:s25+$0x990] =	vst v0  }
0x94: {  	v0 =	vld [tilespmem:$0x120];
	_ =	sdelay $0x4  }
0x95: {  	[tilespmem:s25+$0x9A0] =	vst v0  }
0x96: {  	v0 =	vld [tilespmem:$0x130];
	_ =	sdelay $0x4  }
0x97: {  	[tilespmem:s25+$0x9B0] =	vst v0  }
0x98: {  	[hbm4b:s4+s3] =	stream.linear.scatter [tilespmem:s22], [sflag:$0x1], $0x3000, $0x38;
	[tilespmem:$0x3180] =	vst v63  }
0x99: {  	_ = 	snop  }
0x9a: {  	[hbm4b:s5+s3] =	stream.linear.scatter [tilespmem:s22], [sflag:$0x1], $0x3000, $0x38;
	[tilespmem:$0x3180] =	vst v63  }
0x9b: {  	_ = 	snop  }
0x9c: {  	[hbm4b:s6+s3] =	stream.linear.scatter [tilespmem:s22], [sflag:$0x1], $0x3000, $0x38;
	[tilespmem:$0x3180] =	vst v63  }
0x9d: {  	_ = 	snop  }
0x9e: {  	[hbm4b:s7+s3] =	stream.linear.scatter [tilespmem:s22], [sflag:$0x1], $0x3000, $0x38;
	[tilespmem:$0x3180] =	vst v63  }
0x9f: {  	_ = 	snop  }
0xa0: {  	[hbm4b:s8+s3] =	stream.linear.scatter [tilespmem:s22], [sflag:$0x1], $0x3000, $0x38;
	[tilespmem:$0x3180] =	vst v63  }
0xa1: {  	_ = 	snop  }
0xa2: {  	[hbm4b:s9+s3] =	stream.linear.scatter [tilespmem:s22], [sflag:$0x1], $0x3000, $0x38;
	[tilespmem:$0x3180] =	vst v63  }
0xa3: {  	_ = 	snop  }
0xa4: {  	[hbm4b:s10+s3] =	stream.linear.scatter [tilespmem:s22], [sflag:$0x1], $0x3000, $0x38;
	[tilespmem:$0x3180] =	vst v63  }
0xa5: {  	_ = 	snop  }
0xa6: {  	[hbm4b:s11+s3] =	stream.linear.scatter [tilespmem:s22], [sflag:$0x1], $0x3000, $0x38;
	[tilespmem:$0x3180] =	vst v63  }
0xa7: {  	_ = 	snop  }
0xa8: {  	[hbm4b:s12+s3] =	stream.linear.scatter [tilespmem:s22], [sflag:$0x1], $0x3000, $0x38;
	[tilespmem:$0x3180] =	vst v63  }
0xa9: {  	_ = 	snop  }
0xaa: {  	[hbm4b:s13+s3] =	stream.linear.scatter [tilespmem:s22], [sflag:$0x1], $0x3000, $0x38;
	[tilespmem:$0x3180] =	vst v63  }
0xab: {  	_ = 	snop  }
0xac: {  	[hbm4b:s14+s3] =	stream.linear.scatter [tilespmem:s22], [sflag:$0x1], $0x3000, $0x38;
	[tilespmem:$0x3180] =	vst v63  }
0xad: {  	_ = 	snop  }
0xae: {  	[hbm4b:s15+s3] =	stream.linear.scatter [tilespmem:s22], [sflag:$0x1], $0x3000, $0x38;
	[tilespmem:$0x3180] =	vst v63  }
0xaf: {  	_ = 	snop  }
0xb0: {  	[hbm4b:s16+s3] =	stream.linear.scatter [tilespmem:s22], [sflag:$0x1], $0x3000, $0x38;
	[tilespmem:$0x3180] =	vst v63  }
0xb1: {  	_ = 	snop  }
0xb2: {  	[hbm4b:s17+s3] =	stream.linear.scatter [tilespmem:s22], [sflag:$0x1], $0x3000, $0x38;
	[tilespmem:$0x3180] =	vst v63  }
0xb3: {  	_ = 	snop  }
0xb4: {  	[hbm4b:s18+s3] =	stream.linear.scatter [tilespmem:s22], [sflag:$0x1], $0x3000, $0x38;
	[tilespmem:$0x3180] =	vst v63  }
0xb5: {  	_ = 	snop  }
0xb6: {  	[hbm4b:s19+s3] =	stream.linear.scatter [tilespmem:s22], [sflag:$0x1], $0x3000, $0x38;
	[tilespmem:$0x3180] =	vst v63  }
0xb7: {  	_ =	swait.ge [sflag:s23], $0x3000  }
0xb8: {  	[sflag:s23] =	ssyncset.done $0x0  }
0xb9: {  	[sflag:s23] =	ssyncadd.s32 $0xFFFFD000  }
0xba: {  	_ =	swait.ge [sflag:s23], $0x3000  }
0xbb: {  	[sflag:s23] =	ssyncset.done $0x0  }
0xbc: {  	[sflag:s23] =	ssyncadd.s32 $0xFFFFD000  }
0xbd: {  	_ =	swait.ge [sflag:s23], $0x3000  }
0xbe: {  	[sflag:s23] =	ssyncset.done $0x0  }
0xbf: {  	[sflag:s23] =	ssyncadd.s32 $0xFFFFD000  }
0xc0: {  	_ =	swait.ge [sflag:s23], $0x3000  }
0xc1: {  	[sflag:s23] =	ssyncset.done $0x0  }
0xc2: {  	[sflag:s23] =	ssyncadd.s32 $0xFFFFD000  }
0xc3: {  	_ =	swait.ge [sflag:s23], $0x3000  }
0xc4: {  	[sflag:s23] =	ssyncset.done $0x0  }
0xc5: {  	[sflag:s23] =	ssyncadd.s32 $0xFFFFD000  }
0xc6: {  	_ =	swait.ge [sflag:s23], $0x3000  }
0xc7: {  	[sflag:s23] =	ssyncset.done $0x0  }
0xc8: {  	[sflag:s23] =	ssyncadd.s32 $0xFFFFD000  }
0xc9: {  	_ =	swait.ge [sflag:s23], $0x3000  }
0xca: {  	[sflag:s23] =	ssyncset.done $0x0  }
0xcb: {  	[sflag:s23] =	ssyncadd.s32 $0xFFFFD000  }
0xcc: {  	_ =	swait.ge [sflag:s23], $0x3000  }
0xcd: {  	[sflag:s23] =	ssyncset.done $0x0  }
0xce: {  	[sflag:s23] =	ssyncadd.s32 $0xFFFFD000  }
0xcf: {  	_ =	swait.ge [sflag:s23], $0x3000  }
0xd0: {  	[sflag:s23] =	ssyncset.done $0x0  }
0xd1: {  	[sflag:s23] =	ssyncadd.s32 $0xFFFFD000  }
0xd2: {  	_ =	swait.ge [sflag:s23], $0x3000  }
0xd3: {  	[sflag:s23] =	ssyncset.done $0x0  }
0xd4: {  	[sflag:s23] =	ssyncadd.s32 $0xFFFFD000  }
0xd5: {  	_ =	swait.ge [sflag:s23], $0x3000  }
0xd6: {  	[sflag:s23] =	ssyncset.done $0x0  }
0xd7: {  	[sflag:s23] =	ssyncadd.s32 $0xFFFFD000  }
0xd8: {  	_ =	swait.ge [sflag:s23], $0x3000  }
0xd9: {  	[sflag:s23] =	ssyncset.done $0x0  }
0xda: {  	[sflag:s23] =	ssyncadd.s32 $0xFFFFD000  }
0xdb: {  	_ =	swait.ge [sflag:s23], $0x3000  }
0xdc: {  	[sflag:s23] =	ssyncset.done $0x0  }
0xdd: {  	[sflag:s23] =	ssyncadd.s32 $0xFFFFD000  }
0xde: {  	_ =	swait.ge [sflag:s23], $0x3000  }
0xdf: {  	[sflag:s23] =	ssyncset.done $0x0  }
0xe0: {  	s24 =	sadd.s32 $0x1, s24;
	[sflag:s23] =	ssyncadd.s32 $0xFFFFD000  }
0xe1: {  	p0 =	sne.s32 s24, s20;
	_ =	swait.ge [sflag:s23], $0x3000  }
.Ltmp1:
0xe2: {  	[sflag:s23] =	ssyncset.done $0x0;
	(pc) =	sbr.rel @p0 .LBB2_1-.Ltmp1, $4  }
0xe3: {  	[sflag:s23] =	ssyncadd.s32 $0xFFFFD000  }
0xe4: {  	_ =	swait.ge [sflag:s23], $0x3000  }
0xe5: {  	[sflag:s23] =	ssyncset.done $0x0  }
0xe6: {  	[sflag:s23] =	ssyncadd.s32 $0xFFFFD000  }
0xe7: {  	_ =	sfence.sel $0x180000  }
0xe8: {  	[bflag:$0x0] =	sbarrier.arrive $0xFFFF  }
0xe9: {  	p0 =	sne.s32 s0, $0x0;
	_ =	strace $0x90000047  }
0xea: {  	s0 =	sadd.s32 @!p0 $0x100000, s1;
	[bflag:$0x2] =	sbarrier.arrive $0xFFFF  }
0xeb: {  	[sflag:s0] =	ssyncadd.tile.s32 @!p0 $0x1;
	_ =	shalt  }
.Lfunc_end2:
_tile_overlayer_lowered:
.L_overlay_start_2:
0xec: {  	(tag) =	ssettag $0x2  }
0xed: {  	s0 =	rddreg [dreg:$0x0];
	s2 =	stileid.u32  }
0xee: {  	s1 =	rddreg [dreg:$0x1];
	p0 =	sne.s32 s2, $0x0  }
0xef: {  	s3 =	rddreg [dreg:$0x2];
	[bflag:$0x3] =	sbarrier.arrive $0xFFFF;
	s2 =	simm.s32 @!p0 $0x1C02  }
0xf0: {  	[timem:s3], [sflag:s2] =	dma.local @!p0 [hbm:s0], s1  }
0xf1: {  	s0 =	simm.s32 @!p0 $0x2  }
0xf2: {  	_ =	swait.ge @!p0 [sflag:s0], s1  }
0xf3: {  	s1 =	ssub.s32 @!p0 $0x0, s1;
	[sflag:s0] =	ssyncset.done @!p0 $0x0  }
0xf4: {  	[sflag:s0] =	ssyncadd.s32 @!p0 s1  }
0xf5: {  	[bflag:$0x3] =	sbarrier.arrive $0xFFFF  }
0xf6: {  	_ =	shalt  }

</sc_bundles>
